<compile_context>
chip_gen: v7x
topology: tpu7x:2x2x1
jax: 0.10.2.dev20260603
libtpu: 0.0.44.dev20260713+nightly
codegen_flags: <defaults>
</compile_context>

<pallas_src>
import functools

import jax
import jax.numpy as jnp
from jax import lax
from jax.experimental import pallas as pl
from jax.experimental.pallas import tpu as pltpu
from jax.experimental.pallas import tpu_sc as plsc

B, N = 128, 8192
L = 16
NC, NS = 2, 16
NW = NC * NS
SC_ROWS = 32
TC_ROWS = B - SC_ROWS
NWIN = 2
CW = N // NWIN
WCHUNKS = CW // L

CB = 2048
NBLK = N // CB
G = 256
NG = CB // G


def _sc_part(x, maskf):
    mesh = plsc.VectorSubcoreMesh(core_axis_name="c", subcore_axis_name="s")

    @functools.partial(
        pl.kernel,
        mesh=mesh,
        out_type=jax.ShapeDtypeStruct((SC_ROWS, N), jnp.float32),
        compiler_params=pltpu.CompilerParams(needs_layout_passes=False),
        scratch_types=[
            pltpu.VMEM((2, 1, CW), jnp.float32),
            pltpu.VMEM((2, 1, CW), jnp.float32),
            pltpu.VMEM((2, 1, CW), jnp.float32),
            pltpu.SemaphoreType.DMA,
            pltpu.SemaphoreType.DMA,
            pltpu.SemaphoreType.DMA,
            pltpu.SemaphoreType.DMA,
        ],
    )
    def k(x_hbm, m_hbm, out_hbm, xw, mw, ow, sin0, sin1, sout0, sout1):
        wid = lax.axis_index("s") * NC + lax.axis_index("c")
        row = B - SC_ROWS + wid
        orow = wid
        sin = (sin0, sin1)
        sout = (sout0, sout1)

        def start_in(w):
            b = w % 2
            hx = pltpu.async_copy(
                x_hbm.at[pl.ds(row, 1), pl.ds(w * CW, CW)], xw.at[b], sin[b])
            hm = pltpu.async_copy(
                m_hbm.at[pl.ds(orow, 1), pl.ds(w * CW, CW)], mw.at[b], sin[b])
            return (hx, hm)

        pending_in = {0: start_in(0)}
        pending_out = {}
        carry = jnp.float32(0.0)
        for w in range(NWIN):
            b = w % 2
            for h in pending_in.pop(w):
                h.wait()
            if w + 1 < NWIN:
                pending_in[w + 1] = start_in(w + 1)
            if w - 2 in pending_out:
                pending_out.pop(w - 2).wait()

            def body(i, c, b=b):
                off = i * L
                v = xw[b, 0, pl.ds(off, L)] * mw[b, 0, pl.ds(off, L)]
                s = jnp.cumsum(v) + c
                ow[b, 0, pl.ds(off, L)] = s
                return s[L - 1]

            carry = lax.fori_loop(0, WCHUNKS, body, carry)
            pending_out[w] = pltpu.async_copy(
                ow.at[b],
                out_hbm.at[pl.ds(orow, 1), pl.ds(w * CW, CW)], sout[b])
        for w in sorted(pending_out):
            pending_out.pop(w).wait()

    return k(x, maskf)


def _tc_body(x_ref, m_ref, u_ref, o_ref, carry_ref):
    i = pl.program_id(0)

    @pl.when(i == 0)
    def _():
        carry_ref[...] = jnp.zeros_like(carry_ref)

    masked = x_ref[...] * m_ref[...].astype(jnp.float32)
    u = u_ref[...]
    off = carry_ref[...]
    for g in range(NG):
        s = jnp.dot(masked[:, g * G:(g + 1) * G], u,
                    preferred_element_type=jnp.float32)
        o_ref[:, g * G:(g + 1) * G] = s + off
        off = off + jnp.broadcast_to(s[:, G - 1:G], (TC_ROWS, G))
    carry_ref[...] = off


def _tc_part(x, mask):
    u = jnp.triu(jnp.ones((G, G), jnp.float32))
    return pl.pallas_call(
        _tc_body,
        grid=(NBLK,),
        in_specs=[
            pl.BlockSpec((TC_ROWS, CB), lambda i: (0, i)),
            pl.BlockSpec((TC_ROWS, CB), lambda i: (0, i)),
            pl.BlockSpec((G, G), lambda i: (0, 0)),
        ],
        out_specs=pl.BlockSpec((TC_ROWS, CB), lambda i: (0, i)),
        out_shape=jax.ShapeDtypeStruct((TC_ROWS, N), jnp.float32),
        scratch_shapes=[pltpu.VMEM((TC_ROWS, G), jnp.float32)],
    )(x, mask, u)


def kernel(x, mask):
    maskf_sc = mask[TC_ROWS:].astype(jnp.float32)
    sc_out = _sc_part(x, maskf_sc)
    tc_out = _tc_part(x, mask)
    return jnp.concatenate([tc_out, sc_out], axis=0)

# --- scband reference (transcript-rebuilt; emitter-appended) ---
"""Pipeline reference for scband-model-new-73315091743857 (READ-ONLY COPY).

The authoritative reference and input builder live on the scoring server;
editing this copy changes nothing except your own understanding.
"""

import jax, jax.numpy as jnp
import numpy as np


def setup_inputs(seed: int = 0) -> dict:
    key = jax.random.key(seed)
    k1, k2 = jax.random.split(key)
    x = jax.random.normal(k1, (128, 8192), dtype=jnp.float32)
    mask = jax.random.randint(k2, (128, 8192), 0, 2).astype(jnp.bool_)
    return {"x": x, "mask": mask}


def reference(x, mask):
    # Faithful translation of the CUDA kernel: out[b, i] = sum_{j<=i} x[b, j] * mask[b, j]
    # i.e. a masked cumulative sum along dim=1.
    masked = x * mask.astype(x.dtype)
    return jnp.cumsum(masked, axis=1)

if __name__ == "__main__":
    import jax
    _d = setup_inputs()
    print(jax.jit(kernel)(*tuple(_d.values())))

</pallas_src>

<mosaic_0001>
#map = affine_map<(d0, d1) -> (0, 0)>
module attributes {stable_mosaic.version = 14 : i64} {
  func.func @k(%arg0: i32, %arg1: i32, %arg2: memref<128x8192xf32, #tpu.memory_space<hbm>>, %arg3: memref<32x8192xf32, #tpu.memory_space<hbm>>, %arg4: memref<32x8192xf32, #tpu.memory_space<hbm>>, %arg5: memref<2x1x4096xf32, #tpu.memory_space<vmem>>, %arg6: memref<2x1x4096xf32, #tpu.memory_space<vmem>>, %arg7: memref<2x1x4096xf32, #tpu.memory_space<vmem>>, %arg8: memref<!tpu.dma_semaphore, #tpu.memory_space<semaphore_mem>>, %arg9: memref<!tpu.dma_semaphore, #tpu.memory_space<semaphore_mem>>, %arg10: memref<!tpu.dma_semaphore, #tpu.memory_space<semaphore_mem>>, %arg11: memref<!tpu.dma_semaphore, #tpu.memory_space<semaphore_mem>>) attributes {dimension_semantics = [#tpu.dimension_semantics<core_parallel>, #tpu.dimension_semantics<subcore_parallel>], iteration_bounds = array<i64: 2, 16>, scalar_prefetch = 0 : i64, scratch_operands = 7 : i64, tpu.core_type = #tpu.core_type<sc_vector_subcore>, window_params = [{transform_indices = #map}, {transform_indices = #map}, {transform_indices = #map}]} {
    %mul3A = arith.constant 2 : i32
    %mul3A_0 = arith.muli %arg1, %mul3A : i32
    %add3A = arith.addi %mul3A_0, %arg0 : i32
    %add3A_1 = arith.constant 96 : i32
    %add3A_2 = arith.addi %add3A_1, %add3A : i32
    %dma_start3A = arith.constant 0 : i32
    %dma_start3A_3 = arith.constant 0 : i32
    %dma_start3A_4 = arith.constant 0 : i32
    %dma_start3A_5 = tpu.memref_slice %arg5[%dma_start3A, %dma_start3A_3, %dma_start3A_4] : memref<2x1x4096xf32, #tpu.memory_space<vmem>> -> memref<1x1x4096xf32, #tpu.memory_space<vmem>>
    %dma_start3A_6 = tpu.memref_squeeze %dma_start3A_5 : memref<1x1x4096xf32, #tpu.memory_space<vmem>> -> memref<1x4096xf32, #tpu.memory_space<vmem>>
    %dma_start3A_7 = arith.constant 0 : i32
    %dma_start3A_8 = tpu.memref_slice %arg2[%add3A_2, %dma_start3A_7] : memref<128x8192xf32, #tpu.memory_space<hbm>> -> memref<1x4096xf32, #tpu.memory_space<hbm>>
    %dma_start3A_9 = arith.constant 0 : i32
    %dma_start3A_10 = arith.constant 0 : i32
    %dma_start3A_11 = tpu.memref_slice %arg5[%dma_start3A, %dma_start3A_9, %dma_start3A_10] : memref<2x1x4096xf32, #tpu.memory_space<vmem>> -> memref<1x1x4096xf32, #tpu.memory_space<vmem>>
    %dma_start3A_12 = tpu.memref_squeeze %dma_start3A_11 : memref<1x1x4096xf32, #tpu.memory_space<vmem>> -> memref<1x4096xf32, #tpu.memory_space<vmem>>
    %dma_start3A_13 = arith.constant 0 : i32
    %dma_start3A_14 = tpu.memref_slice %arg2[%add3A_2, %dma_start3A_13] : memref<128x8192xf32, #tpu.memory_space<hbm>> -> memref<1x4096xf32, #tpu.memory_space<hbm>>
    tpu.enqueue_dma source(%dma_start3A_14 : memref<1x4096xf32, #tpu.memory_space<hbm>>) target(%dma_start3A_12 : memref<1x4096xf32, #tpu.memory_space<vmem>>) target_semaphore(%arg8 : memref<!tpu.dma_semaphore, #tpu.memory_space<semaphore_mem>>)
    %dma_start3A_15 = arith.constant 0 : i32
    %dma_start3A_16 = arith.constant 0 : i32
    %dma_start3A_17 = arith.constant 0 : i32
    %dma_start3A_18 = tpu.memref_slice %arg6[%dma_start3A_15, %dma_start3A_16, %dma_start3A_17] : memref<2x1x4096xf32, #tpu.memory_space<vmem>> -> memref<1x1x4096xf32, #tpu.memory_space<vmem>>
    %dma_start3A_19 = tpu.memref_squeeze %dma_start3A_18 : memref<1x1x4096xf32, #tpu.memory_space<vmem>> -> memref<1x4096xf32, #tpu.memory_space<vmem>>
    %dma_start3A_20 = arith.constant 0 : i32
    %dma_start3A_21 = tpu.memref_slice %arg3[%add3A, %dma_start3A_20] : memref<32x8192xf32, #tpu.memory_space<hbm>> -> memref<1x4096xf32, #tpu.memory_space<hbm>>
    %dma_start3A_22 = arith.constant 0 : i32
    %dma_start3A_23 = arith.constant 0 : i32
    %dma_start3A_24 = tpu.memref_slice %arg6[%dma_start3A_15, %dma_start3A_22, %dma_start3A_23] : memref<2x1x4096xf32, #tpu.memory_space<vmem>> -> memref<1x1x4096xf32, #tpu.memory_space<vmem>>
    %dma_start3A_25 = tpu.memref_squeeze %dma_start3A_24 : memref<1x1x4096xf32, #tpu.memory_space<vmem>> -> memref<1x4096xf32, #tpu.memory_space<vmem>>
    %dma_start3A_26 = arith.constant 0 : i32
    %dma_start3A_27 = tpu.memref_slice %arg3[%add3A, %dma_start3A_26] : memref<32x8192xf32, #tpu.memory_space<hbm>> -> memref<1x4096xf32, #tpu.memory_space<hbm>>
    tpu.enqueue_dma source(%dma_start3A_27 : memref<1x4096xf32, #tpu.memory_space<hbm>>) target(%dma_start3A_25 : memref<1x4096xf32, #tpu.memory_space<vmem>>) target_semaphore(%arg8 : memref<!tpu.dma_semaphore, #tpu.memory_space<semaphore_mem>>)
    %dma_wait3A = arith.constant 0 : i32
    %dma_wait3A_28 = arith.constant 0 : i32
    %dma_wait3A_29 = arith.constant 0 : i32
    %dma_wait3A_30 = tpu.memref_slice %arg5[%dma_wait3A, %dma_wait3A_28, %dma_wait3A_29] : memref<2x1x4096xf32, #tpu.memory_space<vmem>> -> memref<1x1x4096xf32, #tpu.memory_space<vmem>>
    %dma_wait3A_31 = tpu.memref_squeeze %dma_wait3A_30 : memref<1x1x4096xf32, #tpu.memory_space<vmem>> -> memref<1x4096xf32, #tpu.memory_space<vmem>>
    %dma_wait3A_32 = arith.constant 0 : i32
    %dma_wait3A_33 = tpu.memref_slice %arg2[%add3A_2, %dma_wait3A_32] : memref<128x8192xf32, #tpu.memory_space<hbm>> -> memref<1x4096xf32, #tpu.memory_space<hbm>>
    %dma_wait3A_34 = arith.constant 0 : i32
    %dma_wait3A_35 = arith.constant 0 : i32
    %dma_wait3A_36 = tpu.memref_slice %arg5[%dma_wait3A, %dma_wait3A_34, %dma_wait3A_35] : memref<2x1x4096xf32, #tpu.memory_space<vmem>> -> memref<1x1x4096xf32, #tpu.memory_space<vmem>>
    %dma_wait3A_37 = tpu.memref_squeeze %dma_wait3A_36 : memref<1x1x4096xf32, #tpu.memory_space<vmem>> -> memref<1x4096xf32, #tpu.memory_space<vmem>>
    %dma_wait3A_38 = arith.constant 0 : i32
    %dma_wait3A_39 = tpu.memref_slice %arg2[%add3A_2, %dma_wait3A_38] : memref<128x8192xf32, #tpu.memory_space<hbm>> -> memref<1x4096xf32, #tpu.memory_space<hbm>>
    tpu.wait_dma2 semaphore(%arg8 : memref<!tpu.dma_semaphore, #tpu.memory_space<semaphore_mem>>) src(%dma_wait3A_39 : memref<1x4096xf32, #tpu.memory_space<hbm>>) dst(%dma_wait3A_37 : memref<1x4096xf32, #tpu.memory_space<vmem>>)
    %dma_wait3A_40 = arith.constant 0 : i32
    %dma_wait3A_41 = arith.constant 0 : i32
    %dma_wait3A_42 = arith.constant 0 : i32
    %dma_wait3A_43 = tpu.memref_slice %arg6[%dma_wait3A_40, %dma_wait3A_41, %dma_wait3A_42] : memref<2x1x4096xf32, #tpu.memory_space<vmem>> -> memref<1x1x4096xf32, #tpu.memory_space<vmem>>
    %dma_wait3A_44 = tpu.memref_squeeze %dma_wait3A_43 : memref<1x1x4096xf32, #tpu.memory_space<vmem>> -> memref<1x4096xf32, #tpu.memory_space<vmem>>
    %dma_wait3A_45 = arith.constant 0 : i32
    %dma_wait3A_46 = tpu.memref_slice %arg3[%add3A, %dma_wait3A_45] : memref<32x8192xf32, #tpu.memory_space<hbm>> -> memref<1x4096xf32, #tpu.memory_space<hbm>>
    %dma_wait3A_47 = arith.constant 0 : i32
    %dma_wait3A_48 = arith.constant 0 : i32
    %dma_wait3A_49 = tpu.memref_slice %arg6[%dma_wait3A_40, %dma_wait3A_47, %dma_wait3A_48] : memref<2x1x4096xf32, #tpu.memory_space<vmem>> -> memref<1x1x4096xf32, #tpu.memory_space<vmem>>
    %dma_wait3A_50 = tpu.memref_squeeze %dma_wait3A_49 : memref<1x1x4096xf32, #tpu.memory_space<vmem>> -> memref<1x4096xf32, #tpu.memory_space<vmem>>
    %dma_wait3A_51 = arith.constant 0 : i32
    %dma_wait3A_52 = tpu.memref_slice %arg3[%add3A, %dma_wait3A_51] : memref<32x8192xf32, #tpu.memory_space<hbm>> -> memref<1x4096xf32, #tpu.memory_space<hbm>>
    tpu.wait_dma2 semaphore(%arg8 : memref<!tpu.dma_semaphore, #tpu.memory_space<semaphore_mem>>) src(%dma_wait3A_52 : memref<1x4096xf32, #tpu.memory_space<hbm>>) dst(%dma_wait3A_50 : memref<1x4096xf32, #tpu.memory_space<vmem>>)
    %dma_start3A_53 = arith.constant 1 : i32
    %dma_start3A_54 = arith.constant 0 : i32
    %dma_start3A_55 = arith.constant 0 : i32
    %dma_start3A_56 = tpu.memref_slice %arg5[%dma_start3A_53, %dma_start3A_54, %dma_start3A_55] : memref<2x1x4096xf32, #tpu.memory_space<vmem>> -> memref<1x1x4096xf32, #tpu.memory_space<vmem>>
    %dma_start3A_57 = tpu.memref_squeeze %dma_start3A_56 : memref<1x1x4096xf32, #tpu.memory_space<vmem>> -> memref<1x4096xf32, #tpu.memory_space<vmem>>
    %dma_start3A_58 = arith.constant 4096 : i32
    %dma_start3A_59 = tpu.memref_slice %arg2[%add3A_2, %dma_start3A_58] : memref<128x8192xf32, #tpu.memory_space<hbm>> -> memref<1x4096xf32, #tpu.memory_space<hbm>>
    %dma_start3A_60 = arith.constant 0 : i32
    %dma_start3A_61 = arith.constant 0 : i32
    %dma_start3A_62 = tpu.memref_slice %arg5[%dma_start3A_53, %dma_start3A_60, %dma_start3A_61] : memref<2x1x4096xf32, #tpu.memory_space<vmem>> -> memref<1x1x4096xf32, #tpu.memory_space<vmem>>
    %dma_start3A_63 = tpu.memref_squeeze %dma_start3A_62 : memref<1x1x4096xf32, #tpu.memory_space<vmem>> -> memref<1x4096xf32, #tpu.memory_space<vmem>>
    %dma_start3A_64 = arith.constant 4096 : i32
    %dma_start3A_65 = tpu.memref_slice %arg2[%add3A_2, %dma_start3A_64] : memref<128x8192xf32, #tpu.memory_space<hbm>> -> memref<1x4096xf32, #tpu.memory_space<hbm>>
    tpu.enqueue_dma source(%dma_start3A_65 : memref<1x4096xf32, #tpu.memory_space<hbm>>) target(%dma_start3A_63 : memref<1x4096xf32, #tpu.memory_space<vmem>>) target_semaphore(%arg9 : memref<!tpu.dma_semaphore, #tpu.memory_space<semaphore_mem>>)
    %dma_start3A_66 = arith.constant 1 : i32
    %dma_start3A_67 = arith.constant 0 : i32
    %dma_start3A_68 = arith.constant 0 : i32
    %dma_start3A_69 = tpu.memref_slice %arg6[%dma_start3A_66, %dma_start3A_67, %dma_start3A_68] : memref<2x1x4096xf32, #tpu.memory_space<vmem>> -> memref<1x1x4096xf32, #tpu.memory_space<vmem>>
    %dma_start3A_70 = tpu.memref_squeeze %dma_start3A_69 : memref<1x1x4096xf32, #tpu.memory_space<vmem>> -> memref<1x4096xf32, #tpu.memory_space<vmem>>
    %dma_start3A_71 = arith.constant 4096 : i32
    %dma_start3A_72 = tpu.memref_slice %arg3[%add3A, %dma_start3A_71] : memref<32x8192xf32, #tpu.memory_space<hbm>> -> memref<1x4096xf32, #tpu.memory_space<hbm>>
    %dma_start3A_73 = arith.constant 0 : i32
    %dma_start3A_74 = arith.constant 0 : i32
    %dma_start3A_75 = tpu.memref_slice %arg6[%dma_start3A_66, %dma_start3A_73, %dma_start3A_74] : memref<2x1x4096xf32, #tpu.memory_space<vmem>> -> memref<1x1x4096xf32, #tpu.memory_space<vmem>>
    %dma_start3A_76 = tpu.memref_squeeze %dma_start3A_75 : memref<1x1x4096xf32, #tpu.memory_space<vmem>> -> memref<1x4096xf32, #tpu.memory_space<vmem>>
    %dma_start3A_77 = arith.constant 4096 : i32
    %dma_start3A_78 = tpu.memref_slice %arg3[%add3A, %dma_start3A_77] : memref<32x8192xf32, #tpu.memory_space<hbm>> -> memref<1x4096xf32, #tpu.memory_space<hbm>>
    tpu.enqueue_dma source(%dma_start3A_78 : memref<1x4096xf32, #tpu.memory_space<hbm>>) target(%dma_start3A_76 : memref<1x4096xf32, #tpu.memory_space<vmem>>) target_semaphore(%arg9 : memref<!tpu.dma_semaphore, #tpu.memory_space<semaphore_mem>>)
    %scan3A = arith.constant 0.000000e+00 : f32
    %scan3A_79 = arith.constant 0 : i32
    %scan3A_80 = arith.constant 256 : i32
    %scan3A_81 = arith.addi %scan3A_79, %scan3A_80 : i32
    %scan3A_82 = arith.constant 1 : i32
    %scan3A_83 = scf.for %scan3A_169 = %scan3A_79 to %scan3A_81 step %scan3A_82 iter_args(%scan3A_170 = %scan3A) -> (f32)  : i32 {
      %mul3A_171 = arith.constant 16 : i32
      %mul3A_172 = arith.muli %scan3A_169, %mul3A_171 : i32
      %get3A = arith.constant 0 : i32
      %get3A_173 = arith.constant 0 : i32
      %get3A_174 = arith.index_cast %get3A : i32 to index
      %get3A_175 = arith.index_cast %get3A_173 : i32 to index
      %get3A_176 = arith.index_cast %mul3A_172 : i32 to index
      %get3A_177 = tpu.vector_load %arg5[%get3A_174, %get3A_175, %get3A_176] {strides = array<i32>} : memref<2x1x4096xf32, #tpu.memory_space<vmem>>, vector<16xf32>,
      %get3A_178 = arith.constant 0 : i32
      %get3A_179 = arith.constant 0 : i32
      %get3A_180 = arith.index_cast %get3A_178 : i32 to index
      %get3A_181 = arith.index_cast %get3A_179 : i32 to index
      %get3A_182 = arith.index_cast %mul3A_172 : i32 to index
      %get3A_183 = tpu.vector_load %arg6[%get3A_180, %get3A_181, %get3A_182] {strides = array<i32>} : memref<2x1x4096xf32, #tpu.memory_space<vmem>>, vector<16xf32>,
      %mul3A_184 = arith.mulf %get3A_177, %get3A_183 : vector<16xf32>
      %cumsum3A = arith.constant true
      %cumsum3A_185 = vector.broadcast %cumsum3A : i1 to vector<16xi1>
      %cumsum3A_186 = tpu.scan <sum>, %mul3A_184 masked %cumsum3A_185 : vector<16xf32>, vector<16xi1> -> vector<16xf32>
      %add3A_187 = vector.broadcast %scan3A_170 : f32 to vector<16xf32>
      %add3A_188 = arith.addf %cumsum3A_186, %add3A_187 : vector<16xf32>
      %swap3A = arith.constant 0 : i32
      %swap3A_189 = arith.constant 0 : i32
      %swap3A_190 = arith.index_cast %swap3A : i32 to index
      %swap3A_191 = arith.index_cast %swap3A_189 : i32 to index
      %swap3A_192 = arith.index_cast %mul3A_172 : i32 to index
      %swap3A_193 = tpu.vector_load %arg7[%swap3A_190, %swap3A_191, %swap3A_192] {strides = array<i32>} : memref<2x1x4096xf32, #tpu.memory_space<vmem>>, vector<16xf32>,
      tpu.vector_store %arg7[%swap3A_190, %swap3A_191, %swap3A_192], %add3A_188 {strides = array<i32>} : memref<2x1x4096xf32, #tpu.memory_space<vmem>>, vector<16xf32>,
      %slice3A = vector.extract_strided_slice %add3A_188 {offsets = [15], sizes = [1], strides = [1]} : vector<16xf32> to vector<1xf32>
      %squeeze3A = vector.extract %slice3A[0] : f32 from vector<1xf32>
      scf.yield %squeeze3A : f32
    }
    %scan3A_84 = arith.constant 256 : i32
    %dma_start3A_85 = arith.constant 0 : i32
    %dma_start3A_86 = arith.constant 0 : i32
    %dma_start3A_87 = arith.constant 0 : i32
    %dma_start3A_88 = tpu.memref_slice %arg7[%dma_start3A_85, %dma_start3A_86, %dma_start3A_87] : memref<2x1x4096xf32, #tpu.memory_space<vmem>> -> memref<1x1x4096xf32, #tpu.memory_space<vmem>>
    %dma_start3A_89 = tpu.memref_squeeze %dma_start3A_88 : memref<1x1x4096xf32, #tpu.memory_space<vmem>> -> memref<1x4096xf32, #tpu.memory_space<vmem>>
    %dma_start3A_90 = arith.constant 0 : i32
    %dma_start3A_91 = tpu.memref_slice %arg4[%add3A, %dma_start3A_90] : memref<32x8192xf32, #tpu.memory_space<hbm>> -> memref<1x4096xf32, #tpu.memory_space<hbm>>
    %dma_start3A_92 = arith.constant 0 : i32
    %dma_start3A_93 = tpu.memref_slice %arg4[%add3A, %dma_start3A_92] : memref<32x8192xf32, #tpu.memory_space<hbm>> -> memref<1x4096xf32, #tpu.memory_space<hbm>>
    %dma_start3A_94 = arith.constant 0 : i32
    %dma_start3A_95 = arith.constant 0 : i32
    %dma_start3A_96 = tpu.memref_slice %arg7[%dma_start3A_85, %dma_start3A_94, %dma_start3A_95] : memref<2x1x4096xf32, #tpu.memory_space<vmem>> -> memref<1x1x4096xf32, #tpu.memory_space<vmem>>
    %dma_start3A_97 = tpu.memref_squeeze %dma_start3A_96 : memref<1x1x4096xf32, #tpu.memory_space<vmem>> -> memref<1x4096xf32, #tpu.memory_space<vmem>>
    tpu.enqueue_dma source(%dma_start3A_97 : memref<1x4096xf32, #tpu.memory_space<vmem>>) target(%dma_start3A_93 : memref<1x4096xf32, #tpu.memory_space<hbm>>) target_semaphore(%arg10 : memref<!tpu.dma_semaphore, #tpu.memory_space<semaphore_mem>>)
    %dma_wait3A_98 = arith.constant 1 : i32
    %dma_wait3A_99 = arith.constant 0 : i32
    %dma_wait3A_100 = arith.constant 0 : i32
    %dma_wait3A_101 = tpu.memref_slice %arg5[%dma_wait3A_98, %dma_wait3A_99, %dma_wait3A_100] : memref<2x1x4096xf32, #tpu.memory_space<vmem>> -> memref<1x1x4096xf32, #tpu.memory_space<vmem>>
    %dma_wait3A_102 = tpu.memref_squeeze %dma_wait3A_101 : memref<1x1x4096xf32, #tpu.memory_space<vmem>> -> memref<1x4096xf32, #tpu.memory_space<vmem>>
    %dma_wait3A_103 = arith.constant 4096 : i32
    %dma_wait3A_104 = tpu.memref_slice %arg2[%add3A_2, %dma_wait3A_103] : memref<128x8192xf32, #tpu.memory_space<hbm>> -> memref<1x4096xf32, #tpu.memory_space<hbm>>
    %dma_wait3A_105 = arith.constant 0 : i32
    %dma_wait3A_106 = arith.constant 0 : i32
    %dma_wait3A_107 = tpu.memref_slice %arg5[%dma_wait3A_98, %dma_wait3A_105, %dma_wait3A_106] : memref<2x1x4096xf32, #tpu.memory_space<vmem>> -> memref<1x1x4096xf32, #tpu.memory_space<vmem>>
    %dma_wait3A_108 = tpu.memref_squeeze %dma_wait3A_107 : memref<1x1x4096xf32, #tpu.memory_space<vmem>> -> memref<1x4096xf32, #tpu.memory_space<vmem>>
    %dma_wait3A_109 = arith.constant 4096 : i32
    %dma_wait3A_110 = tpu.memref_slice %arg2[%add3A_2, %dma_wait3A_109] : memref<128x8192xf32, #tpu.memory_space<hbm>> -> memref<1x4096xf32, #tpu.memory_space<hbm>>
    tpu.wait_dma2 semaphore(%arg9 : memref<!tpu.dma_semaphore, #tpu.memory_space<semaphore_mem>>) src(%dma_wait3A_110 : memref<1x4096xf32, #tpu.memory_space<hbm>>) dst(%dma_wait3A_108 : memref<1x4096xf32, #tpu.memory_space<vmem>>)
    %dma_wait3A_111 = arith.constant 1 : i32
    %dma_wait3A_112 = arith.constant 0 : i32
    %dma_wait3A_113 = arith.constant 0 : i32
    %dma_wait3A_114 = tpu.memref_slice %arg6[%dma_wait3A_111, %dma_wait3A_112, %dma_wait3A_113] : memref<2x1x4096xf32, #tpu.memory_space<vmem>> -> memref<1x1x4096xf32, #tpu.memory_space<vmem>>
    %dma_wait3A_115 = tpu.memref_squeeze %dma_wait3A_114 : memref<1x1x4096xf32, #tpu.memory_space<vmem>> -> memref<1x4096xf32, #tpu.memory_space<vmem>>
    %dma_wait3A_116 = arith.constant 4096 : i32
    %dma_wait3A_117 = tpu.memref_slice %arg3[%add3A, %dma_wait3A_116] : memref<32x8192xf32, #tpu.memory_space<hbm>> -> memref<1x4096xf32, #tpu.memory_space<hbm>>
    %dma_wait3A_118 = arith.constant 0 : i32
    %dma_wait3A_119 = arith.constant 0 : i32
    %dma_wait3A_120 = tpu.memref_slice %arg6[%dma_wait3A_111, %dma_wait3A_118, %dma_wait3A_119] : memref<2x1x4096xf32, #tpu.memory_space<vmem>> -> memref<1x1x4096xf32, #tpu.memory_space<vmem>>
    %dma_wait3A_121 = tpu.memref_squeeze %dma_wait3A_120 : memref<1x1x4096xf32, #tpu.memory_space<vmem>> -> memref<1x4096xf32, #tpu.memory_space<vmem>>
    %dma_wait3A_122 = arith.constant 4096 : i32
    %dma_wait3A_123 = tpu.memref_slice %arg3[%add3A, %dma_wait3A_122] : memref<32x8192xf32, #tpu.memory_space<hbm>> -> memref<1x4096xf32, #tpu.memory_space<hbm>>
    tpu.wait_dma2 semaphore(%arg9 : memref<!tpu.dma_semaphore, #tpu.memory_space<semaphore_mem>>) src(%dma_wait3A_123 : memref<1x4096xf32, #tpu.memory_space<hbm>>) dst(%dma_wait3A_121 : memref<1x4096xf32, #tpu.memory_space<vmem>>)
    %scan3A_124 = arith.constant 0 : i32
    %scan3A_125 = arith.constant 256 : i32
    %scan3A_126 = arith.addi %scan3A_124, %scan3A_125 : i32
    %scan3A_127 = arith.constant 1 : i32
    %scan3A_128 = scf.for %scan3A_169 = %scan3A_124 to %scan3A_126 step %scan3A_127 iter_args(%scan3A_170 = %scan3A_83) -> (f32)  : i32 {
      %mul3A_171 = arith.constant 16 : i32
      %mul3A_172 = arith.muli %scan3A_169, %mul3A_171 : i32
      %get3A = arith.constant 1 : i32
      %get3A_173 = arith.constant 0 : i32
      %get3A_174 = arith.index_cast %get3A : i32 to index
      %get3A_175 = arith.index_cast %get3A_173 : i32 to index
      %get3A_176 = arith.index_cast %mul3A_172 : i32 to index
      %get3A_177 = tpu.vector_load %arg5[%get3A_174, %get3A_175, %get3A_176] {strides = array<i32>} : memref<2x1x4096xf32, #tpu.memory_space<vmem>>, vector<16xf32>,
      %get3A_178 = arith.constant 1 : i32
      %get3A_179 = arith.constant 0 : i32
      %get3A_180 = arith.index_cast %get3A_178 : i32 to index
      %get3A_181 = arith.index_cast %get3A_179 : i32 to index
      %get3A_182 = arith.index_cast %mul3A_172 : i32 to index
      %get3A_183 = tpu.vector_load %arg6[%get3A_180, %get3A_181, %get3A_182] {strides = array<i32>} : memref<2x1x4096xf32, #tpu.memory_space<vmem>>, vector<16xf32>,
      %mul3A_184 = arith.mulf %get3A_177, %get3A_183 : vector<16xf32>
      %cumsum3A = arith.constant true
      %cumsum3A_185 = vector.broadcast %cumsum3A : i1 to vector<16xi1>
      %cumsum3A_186 = tpu.scan <sum>, %mul3A_184 masked %cumsum3A_185 : vector<16xf32>, vector<16xi1> -> vector<16xf32>
      %add3A_187 = vector.broadcast %scan3A_170 : f32 to vector<16xf32>
      %add3A_188 = arith.addf %cumsum3A_186, %add3A_187 : vector<16xf32>
      %swap3A = arith.constant 1 : i32
      %swap3A_189 = arith.constant 0 : i32
      %swap3A_190 = arith.index_cast %swap3A : i32 to index
      %swap3A_191 = arith.index_cast %swap3A_189 : i32 to index
      %swap3A_192 = arith.index_cast %mul3A_172 : i32 to index
      %swap3A_193 = tpu.vector_load %arg7[%swap3A_190, %swap3A_191, %swap3A_192] {strides = array<i32>} : memref<2x1x4096xf32, #tpu.memory_space<vmem>>, vector<16xf32>,
      tpu.vector_store %arg7[%swap3A_190, %swap3A_191, %swap3A_192], %add3A_188 {strides = array<i32>} : memref<2x1x4096xf32, #tpu.memory_space<vmem>>, vector<16xf32>,
      %slice3A = vector.extract_strided_slice %add3A_188 {offsets = [15], sizes = [1], strides = [1]} : vector<16xf32> to vector<1xf32>
      %squeeze3A = vector.extract %slice3A[0] : f32 from vector<1xf32>
      scf.yield %squeeze3A : f32
    }
    %scan3A_129 = arith.constant 256 : i32
    %dma_start3A_130 = arith.constant 1 : i32
    %dma_start3A_131 = arith.constant 0 : i32
    %dma_start3A_132 = arith.constant 0 : i32
    %dma_start3A_133 = tpu.memref_slice %arg7[%dma_start3A_130, %dma_start3A_131, %dma_start3A_132] : memref<2x1x4096xf32, #tpu.memory_space<vmem>> -> memref<1x1x4096xf32, #tpu.memory_space<vmem>>
    %dma_start3A_134 = tpu.memref_squeeze %dma_start3A_133 : memref<1x1x4096xf32, #tpu.memory_space<vmem>> -> memref<1x4096xf32, #tpu.memory_space<vmem>>
    %dma_start3A_135 = arith.constant 4096 : i32
    %dma_start3A_136 = tpu.memref_slice %arg4[%add3A, %dma_start3A_135] : memref<32x8192xf32, #tpu.memory_space<hbm>> -> memref<1x4096xf32, #tpu.memory_space<hbm>>
    %dma_start3A_137 = arith.constant 4096 : i32
    %dma_start3A_138 = tpu.memref_slice %arg4[%add3A, %dma_start3A_137] : memref<32x8192xf32, #tpu.memory_space<hbm>> -> memref<1x4096xf32, #tpu.memory_space<hbm>>
    %dma_start3A_139 = arith.constant 0 : i32
    %dma_start3A_140 = arith.constant 0 : i32
    %dma_start3A_141 = tpu.memref_slice %arg7[%dma_start3A_130, %dma_start3A_139, %dma_start3A_140] : memref<2x1x4096xf32, #tpu.memory_space<vmem>> -> memref<1x1x4096xf32, #tpu.memory_space<vmem>>
    %dma_start3A_142 = tpu.memref_squeeze %dma_start3A_141 : memref<1x1x4096xf32, #tpu.memory_space<vmem>> -> memref<1x4096xf32, #tpu.memory_space<vmem>>
    tpu.enqueue_dma source(%dma_start3A_142 : memref<1x4096xf32, #tpu.memory_space<vmem>>) target(%dma_start3A_138 : memref<1x4096xf32, #tpu.memory_space<hbm>>) target_semaphore(%arg11 : memref<!tpu.dma_semaphore, #tpu.memory_space<semaphore_mem>>)
    %dma_wait3A_143 = arith.constant 0 : i32
    %dma_wait3A_144 = arith.constant 0 : i32
    %dma_wait3A_145 = arith.constant 0 : i32
    %dma_wait3A_146 = tpu.memref_slice %arg7[%dma_wait3A_143, %dma_wait3A_144, %dma_wait3A_145] : memref<2x1x4096xf32, #tpu.memory_space<vmem>> -> memref<1x1x4096xf32, #tpu.memory_space<vmem>>
    %dma_wait3A_147 = tpu.memref_squeeze %dma_wait3A_146 : memref<1x1x4096xf32, #tpu.memory_space<vmem>> -> memref<1x4096xf32, #tpu.memory_space<vmem>>
    %dma_wait3A_148 = arith.constant 0 : i32
    %dma_wait3A_149 = tpu.memref_slice %arg4[%add3A, %dma_wait3A_148] : memref<32x8192xf32, #tpu.memory_space<hbm>> -> memref<1x4096xf32, #tpu.memory_space<hbm>>
    %dma_wait3A_150 = arith.constant 0 : i32
    %dma_wait3A_151 = tpu.memref_slice %arg4[%add3A, %dma_wait3A_150] : memref<32x8192xf32, #tpu.memory_space<hbm>> -> memref<1x4096xf32, #tpu.memory_space<hbm>>
    %dma_wait3A_152 = arith.constant 0 : i32
    %dma_wait3A_153 = arith.constant 0 : i32
    %dma_wait3A_154 = tpu.memref_slice %arg7[%dma_wait3A_143, %dma_wait3A_152, %dma_wait3A_153] : memref<2x1x4096xf32, #tpu.memory_space<vmem>> -> memref<1x1x4096xf32, #tpu.memory_space<vmem>>
    %dma_wait3A_155 = tpu.memref_squeeze %dma_wait3A_154 : memref<1x1x4096xf32, #tpu.memory_space<vmem>> -> memref<1x4096xf32, #tpu.memory_space<vmem>>
    tpu.wait_dma2 semaphore(%arg10 : memref<!tpu.dma_semaphore, #tpu.memory_space<semaphore_mem>>) src(%dma_wait3A_155 : memref<1x4096xf32, #tpu.memory_space<vmem>>) dst(%dma_wait3A_151 : memref<1x4096xf32, #tpu.memory_space<hbm>>)
    %dma_wait3A_156 = arith.constant 1 : i32
    %dma_wait3A_157 = arith.constant 0 : i32
    %dma_wait3A_158 = arith.constant 0 : i32
    %dma_wait3A_159 = tpu.memref_slice %arg7[%dma_wait3A_156, %dma_wait3A_157, %dma_wait3A_158] : memref<2x1x4096xf32, #tpu.memory_space<vmem>> -> memref<1x1x4096xf32, #tpu.memory_space<vmem>>
    %dma_wait3A_160 = tpu.memref_squeeze %dma_wait3A_159 : memref<1x1x4096xf32, #tpu.memory_space<vmem>> -> memref<1x4096xf32, #tpu.memory_space<vmem>>
    %dma_wait3A_161 = arith.constant 4096 : i32
    %dma_wait3A_162 = tpu.memref_slice %arg4[%add3A, %dma_wait3A_161] : memref<32x8192xf32, #tpu.memory_space<hbm>> -> memref<1x4096xf32, #tpu.memory_space<hbm>>
    %dma_wait3A_163 = arith.constant 4096 : i32
    %dma_wait3A_164 = tpu.memref_slice %arg4[%add3A, %dma_wait3A_163] : memref<32x8192xf32, #tpu.memory_space<hbm>> -> memref<1x4096xf32, #tpu.memory_space<hbm>>
    %dma_wait3A_165 = arith.constant 0 : i32
    %dma_wait3A_166 = arith.constant 0 : i32
    %dma_wait3A_167 = tpu.memref_slice %arg7[%dma_wait3A_156, %dma_wait3A_165, %dma_wait3A_166] : memref<2x1x4096xf32, #tpu.memory_space<vmem>> -> memref<1x1x4096xf32, #tpu.memory_space<vmem>>
    %dma_wait3A_168 = tpu.memref_squeeze %dma_wait3A_167 : memref<1x1x4096xf32, #tpu.memory_space<vmem>> -> memref<1x4096xf32, #tpu.memory_space<vmem>>
    tpu.wait_dma2 semaphore(%arg11 : memref<!tpu.dma_semaphore, #tpu.memory_space<semaphore_mem>>) src(%dma_wait3A_168 : memref<1x4096xf32, #tpu.memory_space<vmem>>) dst(%dma_wait3A_164 : memref<1x4096xf32, #tpu.memory_space<hbm>>)
    return
  }
}

module attributes {stable_mosaic.version = 14 : i64} {
  func.func @_tc_body(%arg0: i32, %arg1: memref<96x2048xf32, #tpu.memory_space<vmem>>, %arg2: memref<96x2048xi32, #tpu.memory_space<vmem>>, %arg3: memref<256x256xf32, #tpu.memory_space<vmem>>, %arg4: memref<96x2048xf32, #tpu.memory_space<vmem>>, %arg5: memref<96x256xf32, #tpu.memory_space<vmem>>) attributes {dimension_semantics = [#tpu.dimension_semantics<arbitrary>], iteration_bounds = array<i64: 4>, scalar_prefetch = 0 : i64, scratch_operands = 1 : i64, tpu.core_type = #tpu.core_type<tc>, window_params = [{transform_indices = @transform_0, window_bounds = array<i64: 96, 2048>}, {transform_indices = @transform_1, window_bounds = array<i64: 96, 2048>}, {pipeline_mode = #tpu.pipeline_mode<synchronous>, transform_indices = @transform_2, window_bounds = array<i64: 256, 256>}, {transform_indices = @transform_3, window_bounds = array<i64: 96, 2048>}]} {
    %eq3A = arith.constant 0 : i32
    %eq3A_0 = arith.cmpi eq, %arg0, %eq3A : i32
    %convert_element_type3A = arith.extui %eq3A_0 : i1 to i32
    %cond3A = arith.constant 0 : i32
    %cond3A_1 = arith.cmpi ne, %convert_element_type3A, %cond3A : i32
    scf.if %cond3A_1 {
      %broadcast_in_dim3A_103 = arith.constant 0.000000e+00 : f32
      %broadcast_in_dim3A_104 = vector.broadcast %broadcast_in_dim3A_103 : f32 to vector<96x256xf32>
      %swap3A_105 = arith.constant 0 : index
      %swap3A_106 = arith.constant 0 : index
      %swap3A_107 = vector.load %arg5[%swap3A_105, %swap3A_106] : memref<96x256xf32, #tpu.memory_space<vmem>>, vector<96x256xf32>
      tpu.vector_store %arg5[%swap3A_105, %swap3A_106], %broadcast_in_dim3A_104 {strides = array<i32>} : memref<96x256xf32, #tpu.memory_space<vmem>>, vector<96x256xf32>,
    } else {
    }
    %get3A = arith.constant 0 : index
    %get3A_2 = arith.constant 0 : index
    %get3A_3 = vector.load %arg1[%get3A, %get3A_2] : memref<96x2048xf32, #tpu.memory_space<vmem>>, vector<96x2048xf32>
    %get3A_4 = arith.constant 0 : index
    %get3A_5 = arith.constant 0 : index
    %get3A_6 = vector.load %arg2[%get3A_4, %get3A_5] : memref<96x2048xi32, #tpu.memory_space<vmem>>, vector<96x2048xi32>
    %get3A_7 = arith.constant dense<0> : vector<96x2048xi32>
    %get3A_8 = arith.cmpi ne, %get3A_6, %get3A_7 : vector<96x2048xi32>
    %convert_element_type3A_9 = arith.extui %get3A_8 : vector<96x2048xi1> to vector<96x2048xi32>
    %convert_element_type3A_10 = arith.sitofp %convert_element_type3A_9 : vector<96x2048xi32> to vector<96x2048xf32>
    %mul3A = arith.mulf %get3A_3, %convert_element_type3A_10 : vector<96x2048xf32>
    %get3A_11 = arith.constant 0 : index
    %get3A_12 = arith.constant 0 : index
    %get3A_13 = vector.load %arg3[%get3A_11, %get3A_12] : memref<256x256xf32, #tpu.memory_space<vmem>>, vector<256x256xf32>
    %get3A_14 = arith.constant 0 : index
    %get3A_15 = arith.constant 0 : index
    %get3A_16 = vector.load %arg5[%get3A_14, %get3A_15] : memref<96x256xf32, #tpu.memory_space<vmem>>, vector<96x256xf32>
    %slice3A = vector.extract_strided_slice %mul3A {offsets = [0, 0], sizes = [96, 256], strides = [1, 1]} : vector<96x2048xf32> to vector<96x256xf32>
    %dot_general3A = arith.constant dense<0.000000e+00> : vector<96x256xf32>
    %dot_general3A_17 = tpu.matmul %slice3A, %get3A_13, %dot_general3A {dimension_numbers = #tpu.dot_dimension_numbers<[1], [0], [0], [1], [0, 0, 1, 1], [], []>, transpose_lhs_hint = false} : vector<96x256xf32>, vector<256x256xf32>, vector<96x256xf32> -> vector<96x256xf32>
    %add3A = arith.addf %dot_general3A_17, %get3A_16 : vector<96x256xf32>
    %swap3A = arith.constant 0 : index
    %swap3A_18 = arith.constant 0 : index
    %swap3A_19 = vector.load %arg4[%swap3A, %swap3A_18] : memref<96x2048xf32, #tpu.memory_space<vmem>>, vector<96x256xf32>
    tpu.vector_store %arg4[%swap3A, %swap3A_18], %add3A {strides = array<i32>} : memref<96x2048xf32, #tpu.memory_space<vmem>>, vector<96x256xf32>,
    %slice3A_20 = vector.extract_strided_slice %dot_general3A_17 {offsets = [0, 255], sizes = [96, 1], strides = [1, 1]} : vector<96x256xf32> to vector<96x1xf32>
    %broadcast_in_dim3A = vector.shape_cast %slice3A_20 : vector<96x1xf32> to vector<96x1xf32>
    %broadcast_in_dim3A_21 = vector.broadcast %broadcast_in_dim3A : vector<96x1xf32> to vector<96x256xf32>
    %add3A_22 = arith.addf %get3A_16, %broadcast_in_dim3A_21 : vector<96x256xf32>
    %slice3A_23 = vector.extract_strided_slice %mul3A {offsets = [0, 256], sizes = [96, 256], strides = [1, 1]} : vector<96x2048xf32> to vector<96x256xf32>
    %dot_general3A_24 = arith.constant dense<0.000000e+00> : vector<96x256xf32>
    %dot_general3A_25 = tpu.matmul %slice3A_23, %get3A_13, %dot_general3A_24 {dimension_numbers = #tpu.dot_dimension_numbers<[1], [0], [0], [1], [0, 0, 1, 1], [], []>, transpose_lhs_hint = false} : vector<96x256xf32>, vector<256x256xf32>, vector<96x256xf32> -> vector<96x256xf32>
    %add3A_26 = arith.addf %dot_general3A_25, %add3A_22 : vector<96x256xf32>
    %swap3A_27 = arith.constant 0 : index
    %swap3A_28 = arith.constant 256 : index
    %swap3A_29 = vector.load %arg4[%swap3A_27, %swap3A_28] : memref<96x2048xf32, #tpu.memory_space<vmem>>, vector<96x256xf32>
    tpu.vector_store %arg4[%swap3A_27, %swap3A_28], %add3A_26 {strides = array<i32>} : memref<96x2048xf32, #tpu.memory_space<vmem>>, vector<96x256xf32>,
    %slice3A_30 = vector.extract_strided_slice %dot_general3A_25 {offsets = [0, 255], sizes = [96, 1], strides = [1, 1]} : vector<96x256xf32> to vector<96x1xf32>
    %broadcast_in_dim3A_31 = vector.shape_cast %slice3A_30 : vector<96x1xf32> to vector<96x1xf32>
    %broadcast_in_dim3A_32 = vector.broadcast %broadcast_in_dim3A_31 : vector<96x1xf32> to vector<96x256xf32>
    %add3A_33 = arith.addf %add3A_22, %broadcast_in_dim3A_32 : vector<96x256xf32>
    %slice3A_34 = vector.extract_strided_slice %mul3A {offsets = [0, 512], sizes = [96, 256], strides = [1, 1]} : vector<96x2048xf32> to vector<96x256xf32>
    %dot_general3A_35 = arith.constant dense<0.000000e+00> : vector<96x256xf32>
    %dot_general3A_36 = tpu.matmul %slice3A_34, %get3A_13, %dot_general3A_35 {dimension_numbers = #tpu.dot_dimension_numbers<[1], [0], [0], [1], [0, 0, 1, 1], [], []>, transpose_lhs_hint = false} : vector<96x256xf32>, vector<256x256xf32>, vector<96x256xf32> -> vector<96x256xf32>
    %add3A_37 = arith.addf %dot_general3A_36, %add3A_33 : vector<96x256xf32>
    %swap3A_38 = arith.constant 0 : index
    %swap3A_39 = arith.constant 512 : index
    %swap3A_40 = vector.load %arg4[%swap3A_38, %swap3A_39] : memref<96x2048xf32, #tpu.memory_space<vmem>>, vector<96x256xf32>
    tpu.vector_store %arg4[%swap3A_38, %swap3A_39], %add3A_37 {strides = array<i32>} : memref<96x2048xf32, #tpu.memory_space<vmem>>, vector<96x256xf32>,
    %slice3A_41 = vector.extract_strided_slice %dot_general3A_36 {offsets = [0, 255], sizes = [96, 1], strides = [1, 1]} : vector<96x256xf32> to vector<96x1xf32>
    %broadcast_in_dim3A_42 = vector.shape_cast %slice3A_41 : vector<96x1xf32> to vector<96x1xf32>
    %broadcast_in_dim3A_43 = vector.broadcast %broadcast_in_dim3A_42 : vector<96x1xf32> to vector<96x256xf32>
    %add3A_44 = arith.addf %add3A_33, %broadcast_in_dim3A_43 : vector<96x256xf32>
    %slice3A_45 = vector.extract_strided_slice %mul3A {offsets = [0, 768], sizes = [96, 256], strides = [1, 1]} : vector<96x2048xf32> to vector<96x256xf32>
    %dot_general3A_46 = arith.constant dense<0.000000e+00> : vector<96x256xf32>
    %dot_general3A_47 = tpu.matmul %slice3A_45, %get3A_13, %dot_general3A_46 {dimension_numbers = #tpu.dot_dimension_numbers<[1], [0], [0], [1], [0, 0, 1, 1], [], []>, transpose_lhs_hint = false} : vector<96x256xf32>, vector<256x256xf32>, vector<96x256xf32> -> vector<96x256xf32>
    %add3A_48 = arith.addf %dot_general3A_47, %add3A_44 : vector<96x256xf32>
    %swap3A_49 = arith.constant 0 : index
    %swap3A_50 = arith.constant 768 : index
    %swap3A_51 = vector.load %arg4[%swap3A_49, %swap3A_50] : memref<96x2048xf32, #tpu.memory_space<vmem>>, vector<96x256xf32>
    tpu.vector_store %arg4[%swap3A_49, %swap3A_50], %add3A_48 {strides = array<i32>} : memref<96x2048xf32, #tpu.memory_space<vmem>>, vector<96x256xf32>,
    %slice3A_52 = vector.extract_strided_slice %dot_general3A_47 {offsets = [0, 255], sizes = [96, 1], strides = [1, 1]} : vector<96x256xf32> to vector<96x1xf32>
    %broadcast_in_dim3A_53 = vector.shape_cast %slice3A_52 : vector<96x1xf32> to vector<96x1xf32>
    %broadcast_in_dim3A_54 = vector.broadcast %broadcast_in_dim3A_53 : vector<96x1xf32> to vector<96x256xf32>
    %add3A_55 = arith.addf %add3A_44, %broadcast_in_dim3A_54 : vector<96x256xf32>
    %slice3A_56 = vector.extract_strided_slice %mul3A {offsets = [0, 1024], sizes = [96, 256], strides = [1, 1]} : vector<96x2048xf32> to vector<96x256xf32>
    %dot_general3A_57 = arith.constant dense<0.000000e+00> : vector<96x256xf32>
    %dot_general3A_58 = tpu.matmul %slice3A_56, %get3A_13, %dot_general3A_57 {dimension_numbers = #tpu.dot_dimension_numbers<[1], [0], [0], [1], [0, 0, 1, 1], [], []>, transpose_lhs_hint = false} : vector<96x256xf32>, vector<256x256xf32>, vector<96x256xf32> -> vector<96x256xf32>
    %add3A_59 = arith.addf %dot_general3A_58, %add3A_55 : vector<96x256xf32>
    %swap3A_60 = arith.constant 0 : index
    %swap3A_61 = arith.constant 1024 : index
    %swap3A_62 = vector.load %arg4[%swap3A_60, %swap3A_61] : memref<96x2048xf32, #tpu.memory_space<vmem>>, vector<96x256xf32>
    tpu.vector_store %arg4[%swap3A_60, %swap3A_61], %add3A_59 {strides = array<i32>} : memref<96x2048xf32, #tpu.memory_space<vmem>>, vector<96x256xf32>,
    %slice3A_63 = vector.extract_strided_slice %dot_general3A_58 {offsets = [0, 255], sizes = [96, 1], strides = [1, 1]} : vector<96x256xf32> to vector<96x1xf32>
    %broadcast_in_dim3A_64 = vector.shape_cast %slice3A_63 : vector<96x1xf32> to vector<96x1xf32>
    %broadcast_in_dim3A_65 = vector.broadcast %broadcast_in_dim3A_64 : vector<96x1xf32> to vector<96x256xf32>
    %add3A_66 = arith.addf %add3A_55, %broadcast_in_dim3A_65 : vector<96x256xf32>
    %slice3A_67 = vector.extract_strided_slice %mul3A {offsets = [0, 1280], sizes = [96, 256], strides = [1, 1]} : vector<96x2048xf32> to vector<96x256xf32>
    %dot_general3A_68 = arith.constant dense<0.000000e+00> : vector<96x256xf32>
    %dot_general3A_69 = tpu.matmul %slice3A_67, %get3A_13, %dot_general3A_68 {dimension_numbers = #tpu.dot_dimension_numbers<[1], [0], [0], [1], [0, 0, 1, 1], [], []>, transpose_lhs_hint = false} : vector<96x256xf32>, vector<256x256xf32>, vector<96x256xf32> -> vector<96x256xf32>
    %add3A_70 = arith.addf %dot_general3A_69, %add3A_66 : vector<96x256xf32>
    %swap3A_71 = arith.constant 0 : index
    %swap3A_72 = arith.constant 1280 : index
    %swap3A_73 = vector.load %arg4[%swap3A_71, %swap3A_72] : memref<96x2048xf32, #tpu.memory_space<vmem>>, vector<96x256xf32>
    tpu.vector_store %arg4[%swap3A_71, %swap3A_72], %add3A_70 {strides = array<i32>} : memref<96x2048xf32, #tpu.memory_space<vmem>>, vector<96x256xf32>,
    %slice3A_74 = vector.extract_strided_slice %dot_general3A_69 {offsets = [0, 255], sizes = [96, 1], strides = [1, 1]} : vector<96x256xf32> to vector<96x1xf32>
    %broadcast_in_dim3A_75 = vector.shape_cast %slice3A_74 : vector<96x1xf32> to vector<96x1xf32>
    %broadcast_in_dim3A_76 = vector.broadcast %broadcast_in_dim3A_75 : vector<96x1xf32> to vector<96x256xf32>
    %add3A_77 = arith.addf %add3A_66, %broadcast_in_dim3A_76 : vector<96x256xf32>
    %slice3A_78 = vector.extract_strided_slice %mul3A {offsets = [0, 1536], sizes = [96, 256], strides = [1, 1]} : vector<96x2048xf32> to vector<96x256xf32>
    %dot_general3A_79 = arith.constant dense<0.000000e+00> : vector<96x256xf32>
    %dot_general3A_80 = tpu.matmul %slice3A_78, %get3A_13, %dot_general3A_79 {dimension_numbers = #tpu.dot_dimension_numbers<[1], [0], [0], [1], [0, 0, 1, 1], [], []>, transpose_lhs_hint = false} : vector<96x256xf32>, vector<256x256xf32>, vector<96x256xf32> -> vector<96x256xf32>
    %add3A_81 = arith.addf %dot_general3A_80, %add3A_77 : vector<96x256xf32>
    %swap3A_82 = arith.constant 0 : index
    %swap3A_83 = arith.constant 1536 : index
    %swap3A_84 = vector.load %arg4[%swap3A_82, %swap3A_83] : memref<96x2048xf32, #tpu.memory_space<vmem>>, vector<96x256xf32>
    tpu.vector_store %arg4[%swap3A_82, %swap3A_83], %add3A_81 {strides = array<i32>} : memref<96x2048xf32, #tpu.memory_space<vmem>>, vector<96x256xf32>,
    %slice3A_85 = vector.extract_strided_slice %dot_general3A_80 {offsets = [0, 255], sizes = [96, 1], strides = [1, 1]} : vector<96x256xf32> to vector<96x1xf32>
    %broadcast_in_dim3A_86 = vector.shape_cast %slice3A_85 : vector<96x1xf32> to vector<96x1xf32>
    %broadcast_in_dim3A_87 = vector.broadcast %broadcast_in_dim3A_86 : vector<96x1xf32> to vector<96x256xf32>
    %add3A_88 = arith.addf %add3A_77, %broadcast_in_dim3A_87 : vector<96x256xf32>
    %slice3A_89 = vector.extract_strided_slice %mul3A {offsets = [0, 1792], sizes = [96, 256], strides = [1, 1]} : vector<96x2048xf32> to vector<96x256xf32>
    %dot_general3A_90 = arith.constant dense<0.000000e+00> : vector<96x256xf32>
    %dot_general3A_91 = tpu.matmul %slice3A_89, %get3A_13, %dot_general3A_90 {dimension_numbers = #tpu.dot_dimension_numbers<[1], [0], [0], [1], [0, 0, 1, 1], [], []>, transpose_lhs_hint = false} : vector<96x256xf32>, vector<256x256xf32>, vector<96x256xf32> -> vector<96x256xf32>
    %add3A_92 = arith.addf %dot_general3A_91, %add3A_88 : vector<96x256xf32>
    %swap3A_93 = arith.constant 0 : index
    %swap3A_94 = arith.constant 1792 : index
    %swap3A_95 = vector.load %arg4[%swap3A_93, %swap3A_94] : memref<96x2048xf32, #tpu.memory_space<vmem>>, vector<96x256xf32>
    tpu.vector_store %arg4[%swap3A_93, %swap3A_94], %add3A_92 {strides = array<i32>} : memref<96x2048xf32, #tpu.memory_space<vmem>>, vector<96x256xf32>,
    %slice3A_96 = vector.extract_strided_slice %dot_general3A_91 {offsets = [0, 255], sizes = [96, 1], strides = [1, 1]} : vector<96x256xf32> to vector<96x1xf32>
    %broadcast_in_dim3A_97 = vector.shape_cast %slice3A_96 : vector<96x1xf32> to vector<96x1xf32>
    %broadcast_in_dim3A_98 = vector.broadcast %broadcast_in_dim3A_97 : vector<96x1xf32> to vector<96x256xf32>
    %add3A_99 = arith.addf %add3A_88, %broadcast_in_dim3A_98 : vector<96x256xf32>
    %swap3A_100 = arith.constant 0 : index
    %swap3A_101 = arith.constant 0 : index
    %swap3A_102 = vector.load %arg5[%swap3A_100, %swap3A_101] : memref<96x256xf32, #tpu.memory_space<vmem>>, vector<96x256xf32>
    tpu.vector_store %arg5[%swap3A_100, %swap3A_101], %add3A_99 {strides = array<i32>} : memref<96x256xf32, #tpu.memory_space<vmem>>, vector<96x256xf32>,
    return
  }
  func.func @transform_0(%arg0: i32) -> (i32, i32) {
    %c0_i32 = arith.constant 0 : i32
    %c0_i32_0 = arith.constant 0 : i32
    return %c0_i32, %arg0 : i32, i32
  }
  func.func @transform_1(%arg0: i32) -> (i32, i32) {
    %c0_i32 = arith.constant 0 : i32
    %c0_i32_0 = arith.constant 0 : i32
    return %c0_i32, %arg0 : i32, i32
  }
  func.func @transform_2(%arg0: i32) -> (i32, i32) {
    %c0_i32 = arith.constant 0 : i32
    %c0_i32_0 = arith.constant 0 : i32
    %c0_i32_1 = arith.constant 0 : i32
    return %c0_i32, %c0_i32_0 : i32, i32
  }
  func.func @transform_3(%arg0: i32) -> (i32, i32) {
    %c0_i32 = arith.constant 0 : i32
    %c0_i32_0 = arith.constant 0 : i32
    return %c0_i32, %arg0 : i32, i32
  }
}

</mosaic_0001>

<sc_bundles>
// kernel: kernel.4.cloned.1.call-start
scs
__scs_entry_jumppad:
0x0: {  	(pc) =	sbr.rel $0x88, $3  }
0x1: {  	(tag) =	ssettag $0x0;
	lr =	simm.s32 $0x1  }
0x2: {  	[smem:$0x3F9F] =	sst lr;
	_ =	strace $0xD0000000  }
0x3: {  	_ = 	snop  }
0x4: {  	_ = 	snop  }
0x5: {  	_ = 	snop  }
0x6: {  	_ = 	snop  }
0x7: {  	_ = 	snop  }
__scs_overlays_trampoline_lowered:
0x8: {  	[smem:$0x3FAE] =	sst s0  }
0x9: {  	[smem:$0x3FAF] =	sst s1  }
0xa: {  	[smem:$0x3FB0] =	sst s2  }
0xb: {  	[smem:$0x3FB1] =	sst s3  }
0xc: {  	[smem:$0x3FB2] =	sst s4  }
0xd: {  	[smem:$0x3FB3] =	sst s5  }
0xe: {  	[smem:$0x3FB4] =	sst s6  }
0xf: {  	[smem:$0x3FB5] =	sst s7  }
0x10: {  	[smem:$0x3FB6] =	sst s8  }
0x11: {  	[smem:$0x3FB7] =	sst s9;
	s0 =	simm.s32 @!p0 $0x0  }
0x12: {  	s1 =	sld [smem:$0x3F9D];
	s0 =	simm.s32 @p0 $0x1  }
0x13: {  	[smem:$0x3FB8] =	sst s0;
	s0 =	simm.s32 @!p1 $0x0  }
0x14: {  	s2 =	sld [smem:$0x3F9C];
	s0 =	simm.s32 @p1 $0x1  }
0x15: {  	[smem:$0x3FB9] =	sst s0;
	s0 =	simm.s32 @!p2 $0x0  }
0x16: {  	s3 =	sld [smem:$0x3FDB];
	s0 =	simm.s32 @p2 $0x1  }
0x17: {  	s4 =	simm.s32 $0x1BF5;
	[smem:$0x3FBB] =	sst s0  }
0x18: {  	s0 =	sld [smem:$0x3F9E];
	_ =	swait.ge [sflag:s4], $0x0  }
0x19: {  	s7 =	sld [smem:$0x3F9F]  }
0x1a: {  	s8 =	sadd.s32 $0xFFFFE003, lr  }
0x1b: {  	s9 =	sadd.s32 $0xFFFFFEF7, lr;
	s5 =	simm.s32 $0xFFFFFFFF;
	p2 =	slt.u32 s8, $0xFFFFF086  }
0x1c: {  	p1 =	slt.u32 s9, $0xF7A;
	s5 =	simm.s32 @!p2 $0x0  }
0x1d: {  	s5 =	simm.s32 @p1 $0x1;
	p0 =	seq.s32 s7, s2  }
0x1e: {  	s7 =	smul.u32 @!p0 $0xF7A, s2;
	p2 =	seq.s32 @!p0 s5, $0x0  }
0x1f: {  	s9 =	smul.u32 $0xF7A, s1;
	s8 =	simm.s32 @!p0 $0x1BF5;
	p2 =	por !p2, p0  }
0x20: {  	[sflag:s8] =	ssyncset.s32 @!p0 $0xFFFFF086;
	s6 =	sadd.s32 @!p0 s3, s7;
	s7 =	simm.s32 @!p0 $0x108  }
0x21: {  	s3 =	sadd.s32 s3, s9;
	s6 =	sadd.s32 @!p0 $0x88, s6;
	s7 =	simm.s32 @p2 $0x1082  }
0x22: {  	[simem:s7], [sflag:s8] =	dma.local @!p0 [hbm:s6], $0xF7A  }
0x23: {  	s9 =	sor.u32 $0xD0000000, s2;
	s6 =	simm.s32 $0x108;
	_ =	swait.ge @!p0 [sflag:s8], $0x0  }
0x24: {  	s3 =	sadd.s32 $0x88, s3;
	s6 =	simm.s32 @!p1 $0x1082;
	[sflag:s4] =	ssyncset.s32 $0xFFFFF086  }
0x25: {  	[simem:s6], [sflag:s4] =	dma.local [hbm:s3], $0xF7A  }
0x26: {  	[smem:$0x3F9F] =	sst s1;
	(tag) =	ssettag s2;
	_ =	strace s9  }
0x27: {  	s1 =	sld [smem:$0x3FAF]  }
0x28: {  	s2 =	sld [smem:$0x3FB0]  }
0x29: {  	s4 =	sld [smem:$0x3FB2]  }
0x2a: {  	p0 =	seq.s32 s5, $0x0;
	s5 =	sld [smem:$0x3FB3]  }
0x2b: {  	s6 =	sld [smem:$0x3FB4]  }
0x2c: {  	s7 =	sld [smem:$0x3FB5]  }
0x2d: {  	s3 =	simm.s32 $0x108;
	s8 =	sld [smem:$0x3FB6]  }
0x2e: {  	s3 =	simm.s32 @!p0 $0x1082;
	s9 =	sld [smem:$0x3FB7]  }
0x2f: {  	lr =	sadd.s32 s0, s3;
	s0 =	sld [smem:$0x3FAE]  }
0x30: {  	s3 =	sld [smem:$0x3FB1]  }
0x31: {  	[smem:$0x3FBA] =	sst s10  }
0x32: {  	s10 =	sld [smem:$0x3FB8];
	_ =	sdelay $0x3  }
0x33: {  	p0 =	seq.s32 s10, $0x1;
	s10 =	sld [smem:$0x3FBA];
	_ =	sdelay $0x3  }
0x34: {  	[smem:$0x3FBA] =	sst s10  }
0x35: {  	s10 =	sld [smem:$0x3FB9];
	_ =	sdelay $0x3  }
0x36: {  	p1 =	seq.s32 s10, $0x1;
	s10 =	sld [smem:$0x3FBA];
	_ =	sdelay $0x3  }
0x37: {  	[smem:$0x3FBA] =	sst s10  }
0x38: {  	s10 =	sld [smem:$0x3FBB]  }
0x39: {  	_ = 	snop;
	(pc) =	sbr.ind lr, $3  }
0x3a: {  	_ = 	snop  }
0x3b: {  	_ = 	snop  }
0x3c: {  	p2 =	seq.s32 s10, $0x1;
	s10 =	sld [smem:$0x3FBA]  }
0x3d: {  	_ =	shalt  }
0x3e: {  	_ =	shalt  }
0x3f: {  	_ =	shalt  }
0x40: {  	_ =	shalt  }
0x41: {  	_ =	shalt  }
0x42: {  	_ =	shalt  }
0x43: {  	_ =	shalt  }
0x44: {  	_ =	shalt  }
0x45: {  	_ =	shalt  }
0x46: {  	_ =	shalt  }
0x47: {  	_ =	shalt  }
0x48: {  	_ =	shalt  }
0x49: {  	_ =	shalt  }
0x4a: {  	_ =	shalt  }
0x4b: {  	_ =	shalt  }
0x4c: {  	_ =	shalt  }
0x4d: {  	_ =	shalt  }
0x4e: {  	_ =	shalt  }
0x4f: {  	_ =	shalt  }
0x50: {  	_ =	shalt  }
0x51: {  	_ =	shalt  }
0x52: {  	_ =	shalt  }
0x53: {  	_ =	shalt  }
0x54: {  	_ =	shalt  }
0x55: {  	_ =	shalt  }
0x56: {  	_ =	shalt  }
0x57: {  	_ =	shalt  }
0x58: {  	_ =	shalt  }
0x59: {  	_ =	shalt  }
0x5a: {  	_ =	shalt  }
0x5b: {  	_ =	shalt  }
0x5c: {  	_ =	shalt  }
0x5d: {  	_ =	shalt  }
0x5e: {  	_ =	shalt  }
0x5f: {  	_ =	shalt  }
0x60: {  	_ =	shalt  }
0x61: {  	_ =	shalt  }
0x62: {  	_ =	shalt  }
0x63: {  	_ =	shalt  }
0x64: {  	_ =	shalt  }
0x65: {  	_ =	shalt  }
0x66: {  	_ =	shalt  }
0x67: {  	_ =	shalt  }
0x68: {  	_ =	shalt  }
0x69: {  	_ =	shalt  }
0x6a: {  	_ =	shalt  }
0x6b: {  	_ =	shalt  }
0x6c: {  	_ =	shalt  }
0x6d: {  	_ =	shalt  }
0x6e: {  	_ =	shalt  }
0x6f: {  	_ =	shalt  }
0x70: {  	_ =	shalt  }
0x71: {  	_ =	shalt  }
0x72: {  	_ =	shalt  }
0x73: {  	_ =	shalt  }
0x74: {  	_ =	shalt  }
0x75: {  	_ =	shalt  }
0x76: {  	_ =	shalt  }
0x77: {  	_ =	shalt  }
0x78: {  	_ =	shalt  }
0x79: {  	_ =	shalt  }
0x7a: {  	_ =	shalt  }
0x7b: {  	_ =	shalt  }
0x7c: {  	_ =	shalt  }
0x7d: {  	_ =	shalt  }
0x7e: {  	_ =	shalt  }
0x7f: {  	_ =	shalt  }
0x80: {  	_ =	shalt  }
0x81: {  	_ =	shalt  }
0x82: {  	_ =	shalt  }
0x83: {  	_ =	shalt  }
0x84: {  	_ =	shalt  }
0x85: {  	_ =	shalt  }
0x86: {  	_ =	shalt  }
0x87: {  	_ =	shalt  }
.Lfunc_end0:
.L_simem_size_0:
called_computation_lowered:
.L_overlay_start_0:
0x88: {  	s2 =	sld [smem:$0x3FD9]  }
0x89: {  	s3 =	sld [smem:$0x3FFE];
	_ =	sdelay $0x1  }
0x8a: {  	s1 =	srdreg.scid  }
0x8b: {  	s0 =	sand.u32 $0x1, s1  }
0x8c: {  	s17 =	sshll.u32 s0, $0xA;
	s2 =	sadd.s32 s3, s2  }
0x8d: {  	s2 =	sadd.s32 s2, s17  }
0x8e: {  	[smem:$0x3FC6] =	sst s2  }
0x8f: {  	_ = 	snop  }
0x90: {  	s2 =	sld [smem:$0x3FC9]  }
0x91: {  	s18 =	sld [smem:$0x3FD0];
	(tm) =	ssettm $0x1  }
0x92: {  	s4 =	sld [smem:$0x3FFB];
	_ =	sdelay $0x3  }
0x93: {  	_ =	strace s4  }
0x94: {  	s4 =	sld [smem:$0x3FFC];
	_ =	sdelay $0x3  }
0x95: {  	_ =	strace s4  }
0x96: {  	s4 =	sld [smem:$0x3FFD];
	_ =	sdelay $0x3  }
0x97: {  	_ =	strace s4  }
0x98: {  	_ =	strace $0x8FFFFFFF  }
0x99: {  	s19 =	sld [smem:$0x3FDB];
	_ =	sdelay $0x1  }
0x9a: {  	s5 =	simm.s32 $_scs_section_size  }
0x9b: {  	s6 =	simm.s32 $_size__tile_overlayer_lowered;
	s7 =	simm.s32 $_tile_overlayer_lowered  }
0x9c: {  	s22 =	simm.s32 $0x1BFF;
	s21 =	sshll.u32 s7, $0x1;
	s4 =	sadd.s32 s5, s19  }
0x9d: {  	s8 =	simm.s32 $0x0;
	s20 =	sshll.u32 s6, $0x1;
	s6 =	sadd.s32 s21, s4  }
0x9e: {  	[timem:s8], [sflag:s22] =	dma.local [hbm:s6], s20  }
0x9f: {  	_ =	swait.ge [sflag:s22], s20  }
0xa0: {  	s5 =	ssub.s32 $0x0, s20;
	[sflag:s22] =	ssyncset.done $0x0  }
0xa1: {  	[sflag:s22] =	ssyncadd.s32 s5;
	_ =	sdelay $0x1  }
0xa2: {  	s23 =	simm.s32 $0x1B8B  }
0xa3: {  	_ =	swait.ge [sflag:s23], $0x1  }
0xa4: {  	[sflag:s23] =	ssyncset.done $0x0  }
0xa5: {  	s25 =	simm.s32 $0x1B8E;
	s24 =	sld [smem:$0x3FFE];
	[sflag:s23] =	ssyncadd.s32 $0xFFFFFFFF  }
0xa6: {  	s26 =	simm.s32 $execute0_lowered;
	[smem:$0x3FD2] =	sst s25  }
0xa7: {  	s6 =	sshll.u32 s26, $0x1;
	_ =	strace $0x80000046;
	[dreg:$0x1] =	wrdreg $0xFFFFFFFF  }
0xa8: {  	s28 =	simm.s32 $_size_execute0_lowered;
	s4 =	sadd.s32 s4, s6;
	[dreg:$0x0] =	wrdreg $0x0  }
0xa9: {  	s6 =	sshll.u32 s28, $0x1;
	[dreg:$0x2] =	wrdreg s4  }
0xaa: {  	[dreg:$0x3] =	wrdreg s6  }
0xab: {  	[dreg:$0x4] =	wrdreg $0xC0  }
0xac: {  	_ =	task [dreg:s8], $0x5FFFF  }
0xad: {  	[dreg:$0x1] =	wrdreg $0xFFFFFFFF  }
0xae: {  	[dreg:$0x0] =	wrdreg $0x60  }
0xaf: {  	[dreg:$0x2] =	wrdreg s2  }
0xb0: {  	[dreg:$0x3] =	wrdreg s18  }
0xb1: {  	[dreg:$0x4] =	wrdreg s24  }
0xb2: {  	[dreg:$0x5] =	wrdreg $0x9  }
0xb3: {  	_ =	task.clear_ibuf [dreg:s8], $0x6FFFF;
	_ =	strace $0x90000046  }
0xb4: {  	s29 =	simm.s32 $0x9;
	_ =	strace $0x80000048  }
0xb5: {  	_ =	swait.ge [sflag:s29], $0x1  }
0xb6: {  	[sflag:s29] =	ssyncadd.s32 $0xFFFFFFFF  }
0xb7: {  	_ =	strace $0x90000048  }
0xb8: {  	_ =	sfence  }
0xb9: {  	s30 =	sld [smem:$0x0];
	_ =	sdelay $0x2  }
0xba: {  	s31 =	sshll.u32 s1, $0xD;
	s1 =	sshrl.u32 s1, $0x2  }
0xbb: {  	s3 =	sand.u32 $0x4000, s31;
	s1 =	sadd.s32 s1, s30  }
0xbc: {  	s0 =	sor.u32 s3, s0;
	s1 =	sshll.u32 s1, $0x11  }
0xbd: {  	s0 =	sor.u32 s1, s0  }
0xbe: {  	s0 =	sadd.s32 $0x8F2B, s0  }
0xbf: {  	[sflag:s0] =	ssyncadd.remote.s32 $0x1  }
0xc0: {  	_ =	sfence.sel $0xFFFF  }
0xc1: {  	[dreg:$0x0] =	wrdreg $0xFFFFFFFF;
	(pc) =	sbr.abs _section_cstart, $3  }
0xc2: {  	[dreg:$0x1] =	wrdreg $0xFFFFFFFF  }
0xc3: {  	_ =	task.clear_ibuf [dreg:s8], $0x2FFFF;
	_ =	strace $0x9FFFFFFF  }
0xc4: {  	(tm) =	ssettm $0x7FFFFFFF  }
0xc5: {  	_ =	shalt  }
tec
execute0_lowered:
.L_overlay_start_1:
0x0: {  	(tag) =	ssettag $0x1  }
0x1: {  	s3 =	rddreg [dreg:$0x0]  }
0x2: {  	s6 =	rddreg [dreg:$0x1]  }
0x3: {  	s4 =	rddreg [dreg:$0x2]  }
0x4: {  	s0 =	rddreg [dreg:$0x3]  }
0x5: {  	s5 =	srdreg.scid;
	s1 =	stileid.u32  }
0x6: {  	s2 =	simm.s32 $0x0;
	s12 =	simm.s32 $0x2000;
	s13 =	simm.s32 $0x1  }
0x7: {  	s14 =	simm.s32 $0x1000;
	s15 =	simm.s32 $0x3000;
	s16 =	simm.s32 $0x4000  }
0x8: {  	s17 =	simm.s32 $0x2;
	s18 =	simm.s32 $0x5000;
	s19 =	simm.s32 $0x3  }
0x9: {  	s20 =	simm.s32 $0x4;
	s21 =	simm.s32 $0x0;
	s5 =	sand.u32 $0x1, s5  }
0xa: {  	s7 =	sshll.u32 s1, $0x5;
	s8 =	sshll.u32 s1, $0xB;
	[smem:$0x7FF] =	sst s2  }
0xb: {  	s29 =	sadd.s32 $0x800, s4;
	s9 =	sshll.u32 s5, $0x4;
	s7 =	sand.u32 $0x60, s7  }
0xc: {  	s8 =	sand.u32 $0x6000, s8;
	s5 =	ssub.s32 $0x2, s5;
	s7 =	sor.u32 s9, s7  }
0xd: {  	_ =	strace $0x80000047;
	s30 =	sshrl.u32 s5, $0x1;
	s7 =	sor.u32 s8, s7  }
0xe: {  	s10 =	ssub.s32 s5, s30;
	s31 =	sadd.s32 s7, s3;
	s11 =	sor.u32 $0x1000, s7  }
0xf: {  	s4 =	sadd.s32 s6, s7;
	s7 =	sadd.s32 s29, s7;
	s9 =	smax.u32 s10, $0x1  }
0x10: {  	s10 =	simm.s32 $0x80;
	s3 =	sadd.s32 $0x18000, s31;
	s5 =	sadd.s32 $0x19000, s31  }
0x11: {  	s6 =	sadd.s32 s6, s11;
	s8 =	sadd.s32 s29, s11;
	s11 =	simm.s32 $0x400  }
.LBB2_1:
0x12: {  	[tilespmem:s2], [sflag:$0x1] =	stream.strided.gather [hbm4b:s3+s10], $0x1000, s11, s10, $0x38;
	[tilespmem:$0x6000] =	vst v63  }
0x13: {  	_ = 	snop  }
0x14: {  	[tilespmem:s12], [sflag:$0x1] =	stream.strided.gather [hbm4b:s4+s10], $0x1000, s11, s10, $0x38;
	[tilespmem:$0x6000] =	vst v63  }
0x15: {  	_ =	swait.ge [sflag:s13], $0x1000  }
0x16: {  	[sflag:s13] =	ssyncset.done $0x0  }
0x17: {  	[sflag:s13] =	ssyncadd.s32 $0xFFFFF000  }
0x18: {  	_ =	swait.ge [sflag:s13], $0x1000  }
0x19: {  	[sflag:s13] =	ssyncset.done $0x0  }
0x1a: {  	[sflag:s13] =	ssyncadd.s32 $0xFFFFF000  }
0x1b: {  	[tilespmem:s14], [sflag:$0x2] =	stream.strided.gather [hbm4b:s5+s10], $0x1000, s11, s10, $0x38;
	[tilespmem:$0x6000] =	vst v63  }
0x1c: {  	s22 =	simm.s32 $0x0  }
0x1d: {  	[tilespmem:s15], [sflag:$0x2] =	stream.strided.gather [hbm4b:s6+s10], $0x1000, s11, s10, $0x38;
	[tilespmem:$0x6000] =	vst v63  }
0x1e: {  	v0 =	vld [tilespmem:s22+$0x0]  }
0x1f: {  	v1 =	vld [tilespmem:s22+$0x2000];
	_ =	sdelay $0x4  }
0x20: {  	v0 =	vmul.f32 v1, v0;
	_ =	sdelay $0x1  }
0x21: {  	(xrf2) =	vadd.scan.msk.f32 $0xffff, v0;
	_ =	sdelay $0x8  }
0x22: {  	s24 =	simm.s32 $0x10  }
0x23: {  	s25 =	simm.f32 $0.0e+00;
	s23 =	simm.s32 $0x80;
	v0 =	vld [tilespmem:s24+$0x0];
	v1, _, _ =	vpop (xrf2)  }
.LBB2_2:
0x24: {  	p0 =	sne.s32 s23, $0x3FC0;
	v2 =	vld [tilespmem:s24+$0x2000];
	v1 =	vadd.f32 s25, v1;
	_ =	sdelay $0x1  }
0x25: {  	[tilespmem:s22+$0x4000] =	vst v1;
	(v2sf) =	vpush v1, $0xF;
	s22 =	smov.u32 s24;
	_ =	sdelay $0x2  }
0x26: {  	v0 =	vmul.f32 v2, v0;
	_ =	sdelay $0x1  }
0x27: {  	(xrf2) =	vadd.scan.msk.f32 $0xffff, v0;
	_ =	sdelay $0x5  }
.Ltmp0:
0x28: {  	(pc) =	sbr.rel @p0 .LBB2_2-.Ltmp0, $3  }
0x29: {  	_ =	sdelay $0x1  }
0x2a: {  	s24 =	sshra.s32 s23, $0x2  }
0x2b: {  	s23 =	sadd.s32 $0x40, s23;
	v0 =	vld [tilespmem:s24+$0x0];
	v1, _, _ =	vpop (xrf2);
	s25 =	spop (v2sf)  }
0x2c: {  	v2 =	vld [tilespmem:s24+$0x2000];
	v1 =	vadd.f32 s25, v1;
	_ =	sdelay $0x1  }
0x2d: {  	(v2sf) =	vpush v1, $0xF;
	_ =	sdelay $0x2  }
0x2e: {  	v0 =	vmul.f32 v2, v0;
	_ =	sdelay $0x1  }
0x2f: {  	(xrf2) =	vadd.scan.msk.f32 $0xffff, v0;
	_ =	sdelay $0x9  }
0x30: {  	v0, _, _ =	vpop (xrf2);
	s23 =	spop (v2sf)  }
0x31: {  	v0 =	vadd.f32 s23, v0;
	_ =	sdelay $0x1  }
0x32: {  	(v2sf) =	vpush v0, $0xF;
	_ =	sdelay $0xb  }
0x33: {  	[tilespmem:s22+$0x4000] =	vst v1  }
0x34: {  	[tilespmem:s24+$0x4000] =	vst v0  }
0x35: {  	[hbm4b:s7+s10] =	stream.strided.scatter [tilespmem:s16], [sflag:$0x3], $0x1000, s11, s10, $0x38;
	[tilespmem:$0x6000] =	vst v63  }
0x36: {  	s25 =	spop (v2sf)  }
0x37: {  	_ =	swait.ge [sflag:s17], $0x1000  }
0x38: {  	[sflag:s17] =	ssyncset.done $0x0  }
0x39: {  	[sflag:s17] =	ssyncadd.s32 $0xFFFFF000  }
0x3a: {  	_ =	swait.ge [sflag:s17], $0x1000  }
0x3b: {  	[sflag:s17] =	ssyncset.done $0x0  }
0x3c: {  	s22 =	simm.s32 $0x0;
	[sflag:s17] =	ssyncadd.s32 $0xFFFFF000  }
0x3d: {  	v0 =	vld [tilespmem:s22+$0x1000]  }
0x3e: {  	v1 =	vld [tilespmem:s22+$0x3000];
	_ =	sdelay $0x4  }
0x3f: {  	v0 =	vmul.f32 v1, v0;
	_ =	sdelay $0x1  }
0x40: {  	(xrf2) =	vadd.scan.msk.f32 $0xffff, v0;
	_ =	sdelay $0x8  }
0x41: {  	s24 =	simm.s32 $0x10  }
0x42: {  	s23 =	simm.s32 $0x80;
	v0 =	vld [tilespmem:s24+$0x1000];
	v1, _, _ =	vpop (xrf2)  }
.LBB2_4:
0x43: {  	p0 =	sne.s32 s23, $0x3FC0;
	v2 =	vld [tilespmem:s24+$0x3000];
	v1 =	vadd.f32 s25, v1;
	_ =	sdelay $0x1  }
0x44: {  	[tilespmem:s22+$0x5000] =	vst v1;
	(v2sf) =	vpush v1, $0xF;
	s22 =	smov.u32 s24;
	_ =	sdelay $0x2  }
0x45: {  	v0 =	vmul.f32 v2, v0;
	_ =	sdelay $0x1  }
0x46: {  	(xrf2) =	vadd.scan.msk.f32 $0xffff, v0;
	_ =	sdelay $0x5  }
.Ltmp1:
0x47: {  	(pc) =	sbr.rel @p0 .LBB2_4-.Ltmp1, $3  }
0x48: {  	_ =	sdelay $0x1  }
0x49: {  	s24 =	sshra.s32 s23, $0x2  }
0x4a: {  	s23 =	sadd.s32 $0x40, s23;
	v0 =	vld [tilespmem:s24+$0x1000];
	v1, _, _ =	vpop (xrf2);
	s25 =	spop (v2sf)  }
0x4b: {  	v2 =	vld [tilespmem:s24+$0x3000];
	v1 =	vadd.f32 s25, v1;
	_ =	sdelay $0x1  }
0x4c: {  	(v2sf) =	vpush v1, $0xF;
	_ =	sdelay $0x2  }
0x4d: {  	v0 =	vmul.f32 v2, v0;
	_ =	sdelay $0x1  }
0x4e: {  	(xrf2) =	vadd.scan.msk.f32 $0xffff, v0;
	_ =	sdelay $0x9  }
0x4f: {  	v0, _, _ =	vpop (xrf2);
	s23 =	spop (v2sf)  }
0x50: {  	v0 =	vadd.f32 s23, v0;
	_ =	sdelay $0x1  }
0x51: {  	(v2sf) =	vpush v0, $0xF;
	_ =	sdelay $0xb  }
0x52: {  	[tilespmem:s22+$0x5000] =	vst v1  }
0x53: {  	[tilespmem:s24+$0x5000] =	vst v0  }
0x54: {  	[hbm4b:s8+s10] =	stream.strided.scatter [tilespmem:s18], [sflag:$0x4], $0x1000, s11, s10, $0x38;
	[tilespmem:$0x6000] =	vst v63  }
0x55: {  	s21 =	sadd.s32 $0x1, s21;
	s31 =	spop (v2sf)  }
0x56: {  	p0 =	sne.s32 s21, s9;
	_ =	swait.ge [sflag:s19], $0x1000  }
.Ltmp2:
0x57: {  	[sflag:s19] =	ssyncset.done $0x0;
	(pc) =	sbr.rel @p0 .LBB2_1-.Ltmp2, $4  }
0x58: {  	[sflag:s19] =	ssyncadd.s32 $0xFFFFF000  }
0x59: {  	_ =	swait.ge [sflag:s20], $0x1000  }
0x5a: {  	[sflag:s20] =	ssyncset.done $0x0  }
0x5b: {  	[sflag:s20] =	ssyncadd.s32 $0xFFFFF000  }
0x5c: {  	_ =	sfence.sel $0x180000  }
0x5d: {  	[bflag:$0x0] =	sbarrier.arrive $0xFFFF  }
0x5e: {  	p0 =	sne.s32 s1, $0x0;
	_ =	strace $0x90000047  }
0x5f: {  	s0 =	sadd.s32 @!p0 $0x100000, s0;
	[bflag:$0x2] =	sbarrier.arrive $0xFFFF  }
0x60: {  	[sflag:s0] =	ssyncadd.tile.s32 @!p0 $0x1;
	_ =	shalt  }
.Lfunc_end2:
_tile_overlayer_lowered:
.L_overlay_start_2:
0x61: {  	(tag) =	ssettag $0x2  }
0x62: {  	s0 =	rddreg [dreg:$0x0];
	s2 =	stileid.u32  }
0x63: {  	s1 =	rddreg [dreg:$0x1];
	p0 =	sne.s32 s2, $0x0  }
0x64: {  	s3 =	rddreg [dreg:$0x2];
	[bflag:$0x3] =	sbarrier.arrive $0xFFFF;
	s2 =	simm.s32 @!p0 $0x1C05  }
0x65: {  	[timem:s3], [sflag:s2] =	dma.local @!p0 [hbm:s0], s1  }
0x66: {  	s0 =	simm.s32 @!p0 $0x5  }
0x67: {  	_ =	swait.ge @!p0 [sflag:s0], s1  }
0x68: {  	s1 =	ssub.s32 @!p0 $0x0, s1;
	[sflag:s0] =	ssyncset.done @!p0 $0x0  }
0x69: {  	[sflag:s0] =	ssyncadd.s32 @!p0 s1  }
0x6a: {  	[bflag:$0x3] =	sbarrier.arrive $0xFFFF  }
0x6b: {  	_ =	shalt  }

</sc_bundles>
